<compile_context>
chip_gen: v7x
topology: tpu7x:2x2x1
jax: 0.10.2.dev20260603
libtpu: 0.0.44.dev20260713+nightly
codegen_flags: <defaults>
</compile_context>

<pallas_src>
import functools

import jax
import jax.numpy as jnp
from jax import lax
from jax.experimental import pallas as pl
from jax.experimental.pallas import tpu as pltpu
from jax.experimental.pallas import tpu_sc as plsc

NUM_CLASSES = 1000000
EMB_CHANNEL = 64
BATCH = 16384

NC = 2
NS = 16
NW = NC * NS
B_PER_W = BATCH // NW


@functools.lru_cache(maxsize=1)
def _build_gather():
    mesh = plsc.VectorSubcoreMesh(core_axis_name="c", subcore_axis_name="s")

    @functools.partial(
        pl.kernel,
        mesh=mesh,
        out_type=jax.ShapeDtypeStruct((BATCH, EMB_CHANNEL), jnp.float32),
        scratch_types=[
            pltpu.VMEM_SHARED((NS, B_PER_W), jnp.int32),
            pltpu.SMEM((B_PER_W,), jnp.int32),
            pltpu.VMEM((B_PER_W, EMB_CHANNEL), jnp.float32),
            pltpu.SemaphoreType.DMA,
        ],
    )
    def emb_gather(table_hbm, idx_hbm, out_hbm, idx_sh, idx_s, rows_v, sem):
        cid = lax.axis_index("c")
        sid = lax.axis_index("s")
        wid = sid * NC + cid
        base = wid * B_PER_W
        pltpu.sync_copy(idx_hbm.at[pl.ds(base, B_PER_W)], idx_sh.at[sid])
        pltpu.sync_copy(idx_sh.at[sid], idx_s)

        def body(j, _):
            i = idx_s[j]
            pltpu.async_copy(table_hbm.at[i >> 3, i & 7], rows_v.at[j], sem)
            return _

        lax.fori_loop(0, B_PER_W, body, None)
        pltpu.make_async_copy(
            out_hbm.at[pl.ds(base, B_PER_W)], rows_v, sem
        ).wait()
        pltpu.sync_copy(rows_v, out_hbm.at[pl.ds(base, B_PER_W)])

    return emb_gather


def kernel(class_labels, label_emb_weight):
    idx = class_labels.astype(jnp.int32)
    table3 = label_emb_weight.reshape(NUM_CLASSES // 8, 8, EMB_CHANNEL)
    return _build_gather()(table3, idx)

# --- scband reference (transcript-rebuilt; emitter-appended) ---
"""Pipeline reference for scband-class-condition-adapter-88347477279639 (READ-ONLY COPY).

The authoritative reference and input builder live on the scoring server;
editing this copy changes nothing except your own understanding.
"""

import jax, jax.numpy as jnp
import numpy as np

NUM_CLASSES = 1000000
EMB_CHANNEL = 64
BATCH = 16384

def setup_inputs(seed: int = 0) -> dict:
    key = jax.random.key(seed)
    k_idx, k_tab = jax.random.split(key)
    class_labels = jax.random.randint(k_idx, (BATCH,), 0, NUM_CLASSES, dtype=jnp.int64 if jax.config.read('jax_enable_x64') else jnp.int32)
    label_emb_weight = jax.random.normal(k_tab, (NUM_CLASSES, EMB_CHANNEL), dtype=jnp.float32)
    return {"class_labels": class_labels, "label_emb_weight": label_emb_weight}

def reference(class_labels, label_emb_weight):
    # nn.Embedding forward: row gather from the embedding table
    return jnp.take(label_emb_weight, class_labels, axis=0)

if __name__ == "__main__":
    import jax
    _d = setup_inputs()
    print(jax.jit(kernel)(*tuple(_d.values())))

</pallas_src>

<mosaic_0001>
#map = affine_map<(d0, d1) -> (0, 0, 0)>
#map1 = affine_map<(d0, d1) -> (0)>
#map2 = affine_map<(d0, d1) -> (0, 0)>
module attributes {stable_mosaic.version = 14 : i64} {
  func.func @emb_gather(%arg0: i32, %arg1: i32, %arg2: memref<125000x8x64xf32, #tpu.memory_space<hbm>>, %arg3: memref<16384xi32, #tpu.memory_space<hbm>>, %arg4: memref<16384x64xf32, #tpu.memory_space<hbm>>, %arg5: memref<16x512xi32, #tpu.memory_space<vmem_shared>>, %arg6: memref<512xi32, #tpu.memory_space<smem>>, %arg7: memref<512x64xf32, #tpu.memory_space<vmem>>, %arg8: memref<!tpu.dma_semaphore, #tpu.memory_space<semaphore_mem>>) attributes {dimension_semantics = [#tpu.dimension_semantics<core_parallel>, #tpu.dimension_semantics<subcore_parallel>], iteration_bounds = array<i64: 2, 16>, scalar_prefetch = 0 : i64, scratch_operands = 4 : i64, tpu.core_type = #tpu.core_type<sc_vector_subcore>, window_params = [{transform_indices = #map}, {transform_indices = #map1}, {transform_indices = #map2}]} {
    %mul3A = arith.constant 2 : i32
    %mul3A_0 = arith.muli %arg1, %mul3A : i32
    %add3A = arith.addi %mul3A_0, %arg0 : i32
    %mul3A_1 = arith.constant 512 : i32
    %mul3A_2 = arith.muli %add3A, %mul3A_1 : i32
    "tpu.region"() ({
      %run_scoped3A = tpu.sem_alloc : memref<!tpu.dma_semaphore, #tpu.memory_space<semaphore_mem>>
      %dma_start3A = arith.constant 0 : i32
      %dma_start3A_10 = tpu.memref_slice %arg5[%arg1, %dma_start3A] : memref<16x512xi32, #tpu.memory_space<vmem_shared>> -> memref<1x512xi32, #tpu.memory_space<vmem_shared>>
      %dma_start3A_11 = tpu.memref_squeeze %dma_start3A_10 : memref<1x512xi32, #tpu.memory_space<vmem_shared>> -> memref<512xi32, #tpu.memory_space<vmem_shared>>
      %dma_start3A_12 = tpu.memref_slice %arg3[%mul3A_2] : memref<16384xi32, #tpu.memory_space<hbm>> -> memref<512xi32, #tpu.memory_space<hbm>>
      tpu.enqueue_dma source(%dma_start3A_12 : memref<512xi32, #tpu.memory_space<hbm>>) target(%dma_start3A_11 : memref<512xi32, #tpu.memory_space<vmem_shared>>) target_semaphore(%run_scoped3A : memref<!tpu.dma_semaphore, #tpu.memory_space<semaphore_mem>>)
      %dma_wait3A_13 = arith.constant 0 : i32
      %dma_wait3A_14 = tpu.memref_slice %arg5[%arg1, %dma_wait3A_13] : memref<16x512xi32, #tpu.memory_space<vmem_shared>> -> memref<1x512xi32, #tpu.memory_space<vmem_shared>>
      %dma_wait3A_15 = tpu.memref_squeeze %dma_wait3A_14 : memref<1x512xi32, #tpu.memory_space<vmem_shared>> -> memref<512xi32, #tpu.memory_space<vmem_shared>>
      %dma_wait3A_16 = tpu.memref_slice %arg3[%mul3A_2] : memref<16384xi32, #tpu.memory_space<hbm>> -> memref<512xi32, #tpu.memory_space<hbm>>
      tpu.wait_dma2 semaphore(%run_scoped3A : memref<!tpu.dma_semaphore, #tpu.memory_space<semaphore_mem>>) src(%dma_wait3A_16 : memref<512xi32, #tpu.memory_space<hbm>>) dst(%dma_wait3A_15 : memref<512xi32, #tpu.memory_space<vmem_shared>>)
      tpu.yield
    }) : () -> ()
    "tpu.region"() ({
      %run_scoped3A = tpu.sem_alloc : memref<!tpu.dma_semaphore, #tpu.memory_space<semaphore_mem>>
      %dma_start3A = arith.constant 0 : i32
      %dma_start3A_10 = tpu.memref_slice %arg5[%arg1, %dma_start3A] : memref<16x512xi32, #tpu.memory_space<vmem_shared>> -> memref<1x512xi32, #tpu.memory_space<vmem_shared>>
      %dma_start3A_11 = tpu.memref_squeeze %dma_start3A_10 : memref<1x512xi32, #tpu.memory_space<vmem_shared>> -> memref<512xi32, #tpu.memory_space<vmem_shared>>
      tpu.enqueue_dma source(%dma_start3A_11 : memref<512xi32, #tpu.memory_space<vmem_shared>>) target(%arg6 : memref<512xi32, #tpu.memory_space<smem>>) target_semaphore(%run_scoped3A : memref<!tpu.dma_semaphore, #tpu.memory_space<semaphore_mem>>)
      %dma_wait3A_12 = arith.constant 0 : i32
      %dma_wait3A_13 = tpu.memref_slice %arg5[%arg1, %dma_wait3A_12] : memref<16x512xi32, #tpu.memory_space<vmem_shared>> -> memref<1x512xi32, #tpu.memory_space<vmem_shared>>
      %dma_wait3A_14 = tpu.memref_squeeze %dma_wait3A_13 : memref<1x512xi32, #tpu.memory_space<vmem_shared>> -> memref<512xi32, #tpu.memory_space<vmem_shared>>
      tpu.wait_dma2 semaphore(%run_scoped3A : memref<!tpu.dma_semaphore, #tpu.memory_space<semaphore_mem>>) src(%dma_wait3A_14 : memref<512xi32, #tpu.memory_space<vmem_shared>>) dst(%arg6 : memref<512xi32, #tpu.memory_space<smem>>)
      tpu.yield
    }) : () -> ()
    %scan3A = arith.constant 0 : i32
    %scan3A_3 = arith.constant 512 : i32
    %scan3A_4 = arith.addi %scan3A, %scan3A_3 : i32
    %scan3A_5 = arith.constant 1 : i32
    scf.for %scan3A_10 = %scan3A to %scan3A_4 step %scan3A_5  : i32 {
      %get3A = arith.index_cast %scan3A_10 : i32 to index
      %get3A_11 = memref.load %arg6[%get3A] : memref<512xi32, #tpu.memory_space<smem>>
      %shift_right_arithmetic3A = arith.constant 3 : i32
      %shift_right_arithmetic3A_12 = arith.shrsi %get3A_11, %shift_right_arithmetic3A : i32
      %and3A = arith.constant 7 : i32
      %and3A_13 = arith.andi %get3A_11, %and3A : i32
      %dma_start3A = arith.constant 0 : i32
      %dma_start3A_14 = tpu.memref_slice %arg7[%scan3A_10, %dma_start3A] : memref<512x64xf32, #tpu.memory_space<vmem>> -> memref<1x64xf32, #tpu.memory_space<vmem>>
      %dma_start3A_15 = tpu.memref_squeeze %dma_start3A_14 : memref<1x64xf32, #tpu.memory_space<vmem>> -> memref<64xf32, #tpu.memory_space<vmem>>
      %dma_start3A_16 = arith.constant 0 : i32
      %dma_start3A_17 = tpu.memref_slice %arg2[%shift_right_arithmetic3A_12, %and3A_13, %dma_start3A_16] : memref<125000x8x64xf32, #tpu.memory_space<hbm>> -> memref<1x1x64xf32, #tpu.memory_space<hbm>>
      %dma_start3A_18 = tpu.memref_squeeze %dma_start3A_17 : memref<1x1x64xf32, #tpu.memory_space<hbm>> -> memref<64xf32, #tpu.memory_space<hbm>>
      %dma_start3A_19 = arith.constant 0 : i32
      %dma_start3A_20 = tpu.memref_slice %arg7[%scan3A_10, %dma_start3A_19] : memref<512x64xf32, #tpu.memory_space<vmem>> -> memref<1x64xf32, #tpu.memory_space<vmem>>
      %dma_start3A_21 = tpu.memref_squeeze %dma_start3A_20 : memref<1x64xf32, #tpu.memory_space<vmem>> -> memref<64xf32, #tpu.memory_space<vmem>>
      %dma_start3A_22 = arith.constant 0 : i32
      %dma_start3A_23 = tpu.memref_slice %arg2[%shift_right_arithmetic3A_12, %and3A_13, %dma_start3A_22] : memref<125000x8x64xf32, #tpu.memory_space<hbm>> -> memref<1x1x64xf32, #tpu.memory_space<hbm>>
      %dma_start3A_24 = tpu.memref_squeeze %dma_start3A_23 : memref<1x1x64xf32, #tpu.memory_space<hbm>> -> memref<64xf32, #tpu.memory_space<hbm>>
      tpu.enqueue_dma source(%dma_start3A_24 : memref<64xf32, #tpu.memory_space<hbm>>) target(%dma_start3A_21 : memref<64xf32, #tpu.memory_space<vmem>>) target_semaphore(%arg8 : memref<!tpu.dma_semaphore, #tpu.memory_space<semaphore_mem>>)
    }
    %scan3A_6 = arith.constant 512 : i32
    %dma_wait3A = arith.constant 0 : i32
    %dma_wait3A_7 = tpu.memref_slice %arg4[%mul3A_2, %dma_wait3A] : memref<16384x64xf32, #tpu.memory_space<hbm>> -> memref<512x64xf32, #tpu.memory_space<hbm>>
    %dma_wait3A_8 = arith.constant 0 : i32
    %dma_wait3A_9 = tpu.memref_slice %arg4[%mul3A_2, %dma_wait3A_8] : memref<16384x64xf32, #tpu.memory_space<hbm>> -> memref<512x64xf32, #tpu.memory_space<hbm>>
    tpu.wait_dma2 semaphore(%arg8 : memref<!tpu.dma_semaphore, #tpu.memory_space<semaphore_mem>>) src(%dma_wait3A_9 : memref<512x64xf32, #tpu.memory_space<hbm>>) dst(%arg7 : memref<512x64xf32, #tpu.memory_space<vmem>>)
    "tpu.region"() ({
      %run_scoped3A = tpu.sem_alloc : memref<!tpu.dma_semaphore, #tpu.memory_space<semaphore_mem>>
      %dma_start3A = arith.constant 0 : i32
      %dma_start3A_10 = tpu.memref_slice %arg4[%mul3A_2, %dma_start3A] : memref<16384x64xf32, #tpu.memory_space<hbm>> -> memref<512x64xf32, #tpu.memory_space<hbm>>
      %dma_start3A_11 = arith.constant 0 : i32
      %dma_start3A_12 = tpu.memref_slice %arg4[%mul3A_2, %dma_start3A_11] : memref<16384x64xf32, #tpu.memory_space<hbm>> -> memref<512x64xf32, #tpu.memory_space<hbm>>
      tpu.enqueue_dma source(%arg7 : memref<512x64xf32, #tpu.memory_space<vmem>>) target(%dma_start3A_12 : memref<512x64xf32, #tpu.memory_space<hbm>>) target_semaphore(%run_scoped3A : memref<!tpu.dma_semaphore, #tpu.memory_space<semaphore_mem>>)
      %dma_wait3A_13 = arith.constant 0 : i32
      %dma_wait3A_14 = tpu.memref_slice %arg4[%mul3A_2, %dma_wait3A_13] : memref<16384x64xf32, #tpu.memory_space<hbm>> -> memref<512x64xf32, #tpu.memory_space<hbm>>
      %dma_wait3A_15 = arith.constant 0 : i32
      %dma_wait3A_16 = tpu.memref_slice %arg4[%mul3A_2, %dma_wait3A_15] : memref<16384x64xf32, #tpu.memory_space<hbm>> -> memref<512x64xf32, #tpu.memory_space<hbm>>
      tpu.wait_dma2 semaphore(%run_scoped3A : memref<!tpu.dma_semaphore, #tpu.memory_space<semaphore_mem>>) src(%arg7 : memref<512x64xf32, #tpu.memory_space<vmem>>) dst(%dma_wait3A_16 : memref<512x64xf32, #tpu.memory_space<hbm>>)
      tpu.yield
    }) : () -> ()
    return
  }
}

</mosaic_0001>

<sc_bundles>
// kernel: kernel.3.cloned.1.call-start
scs
__scs_entry_jumppad:
0x0: {  	(pc) =	sbr.rel $0x88, $3  }
0x1: {  	(tag) =	ssettag $0x0;
	lr =	simm.s32 $0x1  }
0x2: {  	[smem:$0x3F9F] =	sst lr;
	_ =	strace $0xD0000000  }
0x3: {  	_ = 	snop  }
0x4: {  	_ = 	snop  }
0x5: {  	_ = 	snop  }
0x6: {  	_ = 	snop  }
0x7: {  	_ = 	snop  }
__scs_overlays_trampoline_lowered:
0x8: {  	[smem:$0x3FAE] =	sst s0  }
0x9: {  	[smem:$0x3FAF] =	sst s1  }
0xa: {  	[smem:$0x3FB0] =	sst s2  }
0xb: {  	[smem:$0x3FB1] =	sst s3  }
0xc: {  	[smem:$0x3FB2] =	sst s4  }
0xd: {  	[smem:$0x3FB3] =	sst s5  }
0xe: {  	[smem:$0x3FB4] =	sst s6  }
0xf: {  	[smem:$0x3FB5] =	sst s7  }
0x10: {  	[smem:$0x3FB6] =	sst s8  }
0x11: {  	[smem:$0x3FB7] =	sst s9;
	s0 =	simm.s32 @!p0 $0x0  }
0x12: {  	s1 =	sld [smem:$0x3F9D];
	s0 =	simm.s32 @p0 $0x1  }
0x13: {  	[smem:$0x3FB8] =	sst s0;
	s0 =	simm.s32 @!p1 $0x0  }
0x14: {  	s2 =	sld [smem:$0x3F9C];
	s0 =	simm.s32 @p1 $0x1  }
0x15: {  	[smem:$0x3FB9] =	sst s0;
	s0 =	simm.s32 @!p2 $0x0  }
0x16: {  	s3 =	sld [smem:$0x3FDB];
	s0 =	simm.s32 @p2 $0x1  }
0x17: {  	s4 =	simm.s32 $0x1BF5;
	[smem:$0x3FBB] =	sst s0  }
0x18: {  	s0 =	sld [smem:$0x3F9E];
	_ =	swait.ge [sflag:s4], $0x0  }
0x19: {  	s7 =	sld [smem:$0x3F9F]  }
0x1a: {  	s8 =	sadd.s32 $0xFFFFE003, lr  }
0x1b: {  	s9 =	sadd.s32 $0xFFFFFEF7, lr;
	s5 =	simm.s32 $0xFFFFFFFF;
	p2 =	slt.u32 s8, $0xFFFFF086  }
0x1c: {  	p1 =	slt.u32 s9, $0xF7A;
	s5 =	simm.s32 @!p2 $0x0  }
0x1d: {  	s5 =	simm.s32 @p1 $0x1;
	p0 =	seq.s32 s7, s2  }
0x1e: {  	s7 =	smul.u32 @!p0 $0xF7A, s2;
	p2 =	seq.s32 @!p0 s5, $0x0  }
0x1f: {  	s9 =	smul.u32 $0xF7A, s1;
	s8 =	simm.s32 @!p0 $0x1BF5;
	p2 =	por !p2, p0  }
0x20: {  	[sflag:s8] =	ssyncset.s32 @!p0 $0xFFFFF086;
	s6 =	sadd.s32 @!p0 s3, s7;
	s7 =	simm.s32 @!p0 $0x108  }
0x21: {  	s3 =	sadd.s32 s3, s9;
	s6 =	sadd.s32 @!p0 $0x88, s6;
	s7 =	simm.s32 @p2 $0x1082  }
0x22: {  	[simem:s7], [sflag:s8] =	dma.local @!p0 [hbm:s6], $0xF7A  }
0x23: {  	s9 =	sor.u32 $0xD0000000, s2;
	s6 =	simm.s32 $0x108;
	_ =	swait.ge @!p0 [sflag:s8], $0x0  }
0x24: {  	s3 =	sadd.s32 $0x88, s3;
	s6 =	simm.s32 @!p1 $0x1082;
	[sflag:s4] =	ssyncset.s32 $0xFFFFF086  }
0x25: {  	[simem:s6], [sflag:s4] =	dma.local [hbm:s3], $0xF7A  }
0x26: {  	[smem:$0x3F9F] =	sst s1;
	(tag) =	ssettag s2;
	_ =	strace s9  }
0x27: {  	s1 =	sld [smem:$0x3FAF]  }
0x28: {  	s2 =	sld [smem:$0x3FB0]  }
0x29: {  	s4 =	sld [smem:$0x3FB2]  }
0x2a: {  	p0 =	seq.s32 s5, $0x0;
	s5 =	sld [smem:$0x3FB3]  }
0x2b: {  	s6 =	sld [smem:$0x3FB4]  }
0x2c: {  	s7 =	sld [smem:$0x3FB5]  }
0x2d: {  	s3 =	simm.s32 $0x108;
	s8 =	sld [smem:$0x3FB6]  }
0x2e: {  	s3 =	simm.s32 @!p0 $0x1082;
	s9 =	sld [smem:$0x3FB7]  }
0x2f: {  	lr =	sadd.s32 s0, s3;
	s0 =	sld [smem:$0x3FAE]  }
0x30: {  	s3 =	sld [smem:$0x3FB1]  }
0x31: {  	[smem:$0x3FBA] =	sst s10  }
0x32: {  	s10 =	sld [smem:$0x3FB8];
	_ =	sdelay $0x3  }
0x33: {  	p0 =	seq.s32 s10, $0x1;
	s10 =	sld [smem:$0x3FBA];
	_ =	sdelay $0x3  }
0x34: {  	[smem:$0x3FBA] =	sst s10  }
0x35: {  	s10 =	sld [smem:$0x3FB9];
	_ =	sdelay $0x3  }
0x36: {  	p1 =	seq.s32 s10, $0x1;
	s10 =	sld [smem:$0x3FBA];
	_ =	sdelay $0x3  }
0x37: {  	[smem:$0x3FBA] =	sst s10  }
0x38: {  	s10 =	sld [smem:$0x3FBB]  }
0x39: {  	_ = 	snop;
	(pc) =	sbr.ind lr, $3  }
0x3a: {  	_ = 	snop  }
0x3b: {  	_ = 	snop  }
0x3c: {  	p2 =	seq.s32 s10, $0x1;
	s10 =	sld [smem:$0x3FBA]  }
0x3d: {  	_ =	shalt  }
0x3e: {  	_ =	shalt  }
0x3f: {  	_ =	shalt  }
0x40: {  	_ =	shalt  }
0x41: {  	_ =	shalt  }
0x42: {  	_ =	shalt  }
0x43: {  	_ =	shalt  }
0x44: {  	_ =	shalt  }
0x45: {  	_ =	shalt  }
0x46: {  	_ =	shalt  }
0x47: {  	_ =	shalt  }
0x48: {  	_ =	shalt  }
0x49: {  	_ =	shalt  }
0x4a: {  	_ =	shalt  }
0x4b: {  	_ =	shalt  }
0x4c: {  	_ =	shalt  }
0x4d: {  	_ =	shalt  }
0x4e: {  	_ =	shalt  }
0x4f: {  	_ =	shalt  }
0x50: {  	_ =	shalt  }
0x51: {  	_ =	shalt  }
0x52: {  	_ =	shalt  }
0x53: {  	_ =	shalt  }
0x54: {  	_ =	shalt  }
0x55: {  	_ =	shalt  }
0x56: {  	_ =	shalt  }
0x57: {  	_ =	shalt  }
0x58: {  	_ =	shalt  }
0x59: {  	_ =	shalt  }
0x5a: {  	_ =	shalt  }
0x5b: {  	_ =	shalt  }
0x5c: {  	_ =	shalt  }
0x5d: {  	_ =	shalt  }
0x5e: {  	_ =	shalt  }
0x5f: {  	_ =	shalt  }
0x60: {  	_ =	shalt  }
0x61: {  	_ =	shalt  }
0x62: {  	_ =	shalt  }
0x63: {  	_ =	shalt  }
0x64: {  	_ =	shalt  }
0x65: {  	_ =	shalt  }
0x66: {  	_ =	shalt  }
0x67: {  	_ =	shalt  }
0x68: {  	_ =	shalt  }
0x69: {  	_ =	shalt  }
0x6a: {  	_ =	shalt  }
0x6b: {  	_ =	shalt  }
0x6c: {  	_ =	shalt  }
0x6d: {  	_ =	shalt  }
0x6e: {  	_ =	shalt  }
0x6f: {  	_ =	shalt  }
0x70: {  	_ =	shalt  }
0x71: {  	_ =	shalt  }
0x72: {  	_ =	shalt  }
0x73: {  	_ =	shalt  }
0x74: {  	_ =	shalt  }
0x75: {  	_ =	shalt  }
0x76: {  	_ =	shalt  }
0x77: {  	_ =	shalt  }
0x78: {  	_ =	shalt  }
0x79: {  	_ =	shalt  }
0x7a: {  	_ =	shalt  }
0x7b: {  	_ =	shalt  }
0x7c: {  	_ =	shalt  }
0x7d: {  	_ =	shalt  }
0x7e: {  	_ =	shalt  }
0x7f: {  	_ =	shalt  }
0x80: {  	_ =	shalt  }
0x81: {  	_ =	shalt  }
0x82: {  	_ =	shalt  }
0x83: {  	_ =	shalt  }
0x84: {  	_ =	shalt  }
0x85: {  	_ =	shalt  }
0x86: {  	_ =	shalt  }
0x87: {  	_ =	shalt  }
.Lfunc_end0:
.L_simem_size_0:
called_computation_lowered:
.L_overlay_start_0:
0x88: {  	s2 =	sld [smem:$0x3FD9]  }
0x89: {  	s3 =	sld [smem:$0x3FFE];
	_ =	sdelay $0x1  }
0x8a: {  	s1 =	srdreg.scid  }
0x8b: {  	s0 =	sand.u32 $0x1, s1  }
0x8c: {  	s17 =	sshll.u32 s0, $0xA;
	s2 =	sadd.s32 s3, s2  }
0x8d: {  	s2 =	sadd.s32 s2, s17  }
0x8e: {  	[smem:$0x3FC6] =	sst s2  }
0x8f: {  	_ = 	snop  }
0x90: {  	s2 =	sld [smem:$0x3FC9];
	(tm) =	ssettm $0x1  }
0x91: {  	s18 =	sld [smem:$0x3FFB];
	_ =	sdelay $0x3  }
0x92: {  	_ =	strace s18  }
0x93: {  	s3 =	sld [smem:$0x3FFC];
	_ =	sdelay $0x3  }
0x94: {  	_ =	strace s3  }
0x95: {  	s3 =	sld [smem:$0x3FFD];
	_ =	sdelay $0x3  }
0x96: {  	_ =	strace s3  }
0x97: {  	_ =	strace $0x8FFFFFFF  }
0x98: {  	s19 =	sld [smem:$0x3FDB];
	_ =	sdelay $0x1  }
0x99: {  	s4 =	simm.s32 $_scs_section_size  }
0x9a: {  	s5 =	simm.s32 $_size__tile_overlayer_lowered;
	s6 =	simm.s32 $_tile_overlayer_lowered  }
0x9b: {  	s22 =	simm.s32 $0x1BFF;
	s21 =	sshll.u32 s6, $0x1;
	s3 =	sadd.s32 s4, s19  }
0x9c: {  	s7 =	simm.s32 $0x0;
	s20 =	sshll.u32 s5, $0x1;
	s5 =	sadd.s32 s21, s3  }
0x9d: {  	[timem:s7], [sflag:s22] =	dma.local [hbm:s5], s20  }
0x9e: {  	_ =	swait.ge [sflag:s22], s20  }
0x9f: {  	s4 =	ssub.s32 $0x0, s20;
	[sflag:s22] =	ssyncset.done $0x0  }
0xa0: {  	[sflag:s22] =	ssyncadd.s32 s4;
	_ =	sdelay $0x1  }
0xa1: {  	s23 =	simm.s32 $0x1B8B  }
0xa2: {  	_ =	swait.ge [sflag:s23], $0x1  }
0xa3: {  	[sflag:s23] =	ssyncset.done $0x0  }
0xa4: {  	s25 =	simm.s32 $0x1B8E;
	s24 =	sld [smem:$0x3FFE];
	[sflag:s23] =	ssyncadd.s32 $0xFFFFFFFF  }
0xa5: {  	s26 =	simm.s32 $execute0_lowered;
	[smem:$0x3FD2] =	sst s25  }
0xa6: {  	s5 =	sshll.u32 s26, $0x1;
	_ =	strace $0x80000046;
	[dreg:$0x1] =	wrdreg $0xFFFFFFFF  }
0xa7: {  	s28 =	simm.s32 $_size_execute0_lowered;
	s3 =	sadd.s32 s3, s5;
	[dreg:$0x0] =	wrdreg $0x0  }
0xa8: {  	s5 =	sshll.u32 s28, $0x1;
	[dreg:$0x2] =	wrdreg s3  }
0xa9: {  	[dreg:$0x3] =	wrdreg s5  }
0xaa: {  	[dreg:$0x4] =	wrdreg $0xC0  }
0xab: {  	_ =	task [dreg:s7], $0x5FFFF  }
0xac: {  	[dreg:$0x1] =	wrdreg $0xFFFFFFFF  }
0xad: {  	[dreg:$0x0] =	wrdreg $0x60  }
0xae: {  	[dreg:$0x2] =	wrdreg s24  }
0xaf: {  	[dreg:$0x3] =	wrdreg s2  }
0xb0: {  	[dreg:$0x4] =	wrdreg $0x0  }
0xb1: {  	[dreg:$0x5] =	wrdreg $0x9  }
0xb2: {  	_ =	task.clear_ibuf [dreg:s7], $0x6FFFF;
	_ =	strace $0x90000046  }
0xb3: {  	s29 =	simm.s32 $0x9;
	_ =	strace $0x80000048  }
0xb4: {  	_ =	swait.ge [sflag:s29], $0x1  }
0xb5: {  	[sflag:s29] =	ssyncadd.s32 $0xFFFFFFFF  }
0xb6: {  	_ =	strace $0x90000048  }
0xb7: {  	_ =	sfence  }
0xb8: {  	s30 =	sld [smem:$0x0];
	_ =	sdelay $0x2  }
0xb9: {  	s31 =	sshll.u32 s1, $0xD;
	s1 =	sshrl.u32 s1, $0x2  }
0xba: {  	s3 =	sand.u32 $0x4000, s31;
	s1 =	sadd.s32 s1, s30  }
0xbb: {  	s0 =	sor.u32 s3, s0;
	s1 =	sshll.u32 s1, $0x11  }
0xbc: {  	s0 =	sor.u32 s1, s0  }
0xbd: {  	s0 =	sadd.s32 $0x8F2B, s0  }
0xbe: {  	[sflag:s0] =	ssyncadd.remote.s32 $0x1  }
0xbf: {  	_ =	sfence.sel $0xFFFF  }
0xc0: {  	[dreg:$0x0] =	wrdreg $0xFFFFFFFF;
	(pc) =	sbr.abs _section_cstart, $3  }
0xc1: {  	[dreg:$0x1] =	wrdreg $0xFFFFFFFF  }
0xc2: {  	_ =	task.clear_ibuf [dreg:s7], $0x2FFFF;
	_ =	strace $0x9FFFFFFF  }
0xc3: {  	(tm) =	ssettm $0x7FFFFFFF  }
tec
execute0_lowered:
.L_overlay_start_1:
0x0: {  	(tag) =	ssettag $0x1  }
0x1: {  	s4 =	rddreg [dreg:$0x0]  }
0x2: {  	s5 =	rddreg [dreg:$0x1]  }
0x3: {  	s6 =	rddreg [dreg:$0x2]  }
0x4: {  	s0 =	rddreg [dreg:$0x3]  }
0x5: {  	s3 =	srdreg.scid;
	s2 =	simm.s32 $0x0;
	s1 =	stileid.u32  }
0x6: {  	s13 =	simm.s32 $0x1;
	s14 =	simm.s32 $0x80;
	s15 =	simm.s32 $0x10  }
0x7: {  	s16 =	simm.s32 $0x2;
	s17 =	simm.s32 $0x100;
	s18 =	simm.s32 $0x180  }
0x8: {  	s19 =	simm.s32 $0x200;
	s20 =	simm.s32 $0x0;
	s7 =	sand.u32 $0x1, s3  }
0x9: {  	[smem:$0x7FF] =	sst s2;
	s25 =	sshll.u32 s1, $0xA;
	s3 =	sadd.s32 $0x400, s4  }
0xa: {  	s10 =	sshll.u32 s1, $0x9;
	s29 =	sshll.u32 s1, $0x7;
	s31 =	sshll.u32 s1, $0x6  }
0xb: {  	s8 =	sshll.u32 s7, $0x9;
	_ =	strace $0x80000047;
	s7 =	ssub.s32 $0x2, s7  }
0xc: {  	s28 =	sand.u32 $0x1000, s10;
	s8 =	sor.u32 s8, s25;
	s26 =	sshrl.u32 s7, $0x1  }
0xd: {  	s9 =	sshll.u32 s8, $0x4;
	s11 =	ssub.s32 s7, s26;
	s7 =	sand.u32 $0x380, s29  }
0xe: {  	s30 =	sshrl.u32 s8, $0x3;
	s9 =	sadd.s32 s9, s4;
	s4 =	sadd.s32 s28, s6  }
0xf: {  	s5 =	sadd.s32 s5, s30;
	s6 =	sor.u32 $0x1C02, s31;
	s4 =	sadd.s32 s7, s4  }
0x10: {  	s8 =	smax.u32 s11, $0x1;
	s7 =	sadd.s32 $0xF42800, s9;
	s9 =	sadd.s32 $0x400, s4  }
0x11: {  	s10 =	sadd.s32 $0x800, s4;
	s11 =	sadd.s32 $0xC00, s4;
	s12 =	sshrl.u32 s4, $0x3  }
.LBB2_1:
0x12: {  	[spmem:s12@s14], [sflag:s6] =	dma.strided [hbm:s5@s15], $0x40, s13, $0x10   }
0x13: {  	_ =	swait.ge [sflag:s16], $0x40  }
0x14: {  	[sflag:s16] =	ssyncset.done $0x0  }
0x15: {  	[sflag:s16] =	ssyncadd.s32 $0xFFFFFFC0  }
0x16: {  	[smem:s2], [sflag:$0x2] =	stream.linear.gather [spmem:s4], $0x80, $0x38;
	[tilespmem:$0x10200] =	vst v63  }
0x17: {  	_ = 	snop  }
0x18: {  	[smem:s14], [sflag:$0x2] =	stream.linear.gather [spmem:s9], $0x80, $0x38;
	[tilespmem:$0x10200] =	vst v63  }
0x19: {  	_ = 	snop  }
0x1a: {  	[smem:s17], [sflag:$0x2] =	stream.linear.gather [spmem:s10], $0x80, $0x38;
	[tilespmem:$0x10200] =	vst v63  }
0x1b: {  	_ = 	snop  }
0x1c: {  	[smem:s18], [sflag:$0x2] =	stream.linear.gather [spmem:s11], $0x80, $0x38;
	[tilespmem:$0x10200] =	vst v63  }
0x1d: {  	_ =	swait.ge [sflag:s16], $0x200  }
0x1e: {  	[sflag:s16] =	ssyncset.done $0x0  }
0x1f: {  	[sflag:s16] =	ssyncadd.s32 $0xFFFFFE00  }
0x20: {  	s21 =	sld [smem:$0x0];
	_ =	sdelay $0x2  }
0x21: {  	s21 =	sshll.u32 s21, $0x4  }
0x22: {  	s22 =	sand.u32 $0x1FFFFFF0, s21  }
0x23: {  	s21 =	sld [smem:$0x1];
	s22 =	sadd.s32 s3, s22  }
0x24: {  	[tilespmem:s19], [sflag:$0x1] =	stream.linear.gather [hbm4b:s22+s2], $0x80, $0x38;
	[tilespmem:$0x10200] =	vst v63  }
0x25: {  	s23 =	simm.s32 $0x8;
	s22 =	simm.s32 $0x200  }
.LBB2_2:
0x26: {  	p0 =	sne.s32 s23, $0x7FC  }
.Ltmp0:
0x27: {  	_ = 	snop;
	(pc) =	sbr.rel @p0 .LBB2_2-.Ltmp0, $4  }
0x28: {  	s25 =	sshll.u32 s21, $0x4  }
0x29: {  	s24 =	sshra.s32 s23, $0x2;
	s22 =	sadd.s32 $0x80, s22;
	s31 =	sand.u32 $0x1FFFFFF0, s25  }
0x2a: {  	s23 =	sadd.s32 $0x4, s23;
	s21 =	sld [smem:s24+$0x0];
	s24 =	sadd.s32 s3, s31  }
0x2b: {  	[tilespmem:s22], [sflag:$0x1] =	stream.linear.gather [hbm4b:s24+s2], $0x80, $0x38;
	[tilespmem:$0x10200] =	vst v63  }
0x2c: {  	_ = 	snop  }
0x2d: {  	s21 =	sshll.u32 s21, $0x4  }
0x2e: {  	s21 =	sand.u32 $0x1FFFFFF0, s21  }
0x2f: {  	s22 =	sadd.s32 $0x80, s22;
	s21 =	sadd.s32 s3, s21  }
0x30: {  	[tilespmem:s22], [sflag:$0x1] =	stream.linear.gather [hbm4b:s21+s2], $0x80, $0x38;
	[tilespmem:$0x10200] =	vst v63  }
0x31: {  	s20 =	sadd.s32 $0x1, s20;
	_ =	swait.ge [sflag:s13], $0x10000  }
0x32: {  	p0 =	sne.s32 s20, s8;
	[sflag:s13] =	ssyncset.done $0x0  }
.Ltmp1:
0x33: {  	[sflag:s13] =	ssyncadd.s32 $0xFFFF0000;
	(pc) =	sbr.rel @p0 .LBB2_1-.Ltmp1, $4  }
0x34: {  	[hbm4b:s7+s2] =	stream.linear.scatter [tilespmem:s19], [sflag:$0x2], $0x10000, $0x38;
	[tilespmem:$0x10200] =	vst v63  }
0x35: {  	_ =	swait.ge [sflag:s16], $0x10000  }
0x36: {  	[sflag:s16] =	ssyncset.done $0x0  }
0x37: {  	[sflag:s16] =	ssyncadd.s32 $0xFFFF0000  }
0x38: {  	_ =	sfence.sel $0x180000  }
0x39: {  	[bflag:$0x0] =	sbarrier.arrive $0xFFFF  }
0x3a: {  	p0 =	sne.s32 s1, $0x0;
	_ =	strace $0x90000047  }
0x3b: {  	s0 =	sadd.s32 @!p0 $0x100000, s0;
	[bflag:$0x2] =	sbarrier.arrive $0xFFFF  }
0x3c: {  	[sflag:s0] =	ssyncadd.tile.s32 @!p0 $0x1;
	_ =	shalt  }
.Lfunc_end2:
_tile_overlayer_lowered:
.L_overlay_start_2:
0x3d: {  	(tag) =	ssettag $0x2  }
0x3e: {  	s0 =	rddreg [dreg:$0x0];
	s2 =	stileid.u32  }
0x3f: {  	s1 =	rddreg [dreg:$0x1];
	p0 =	sne.s32 s2, $0x0  }
0x40: {  	s3 =	rddreg [dreg:$0x2];
	[bflag:$0x3] =	sbarrier.arrive $0xFFFF;
	s2 =	simm.s32 @!p0 $0x1C02  }
0x41: {  	[timem:s3], [sflag:s2] =	dma.local @!p0 [hbm:s0], s1  }
0x42: {  	s0 =	simm.s32 @!p0 $0x2  }
0x43: {  	_ =	swait.ge @!p0 [sflag:s0], s1  }
0x44: {  	s1 =	ssub.s32 @!p0 $0x0, s1;
	[sflag:s0] =	ssyncset.done @!p0 $0x0  }
0x45: {  	[sflag:s0] =	ssyncadd.s32 @!p0 s1  }
0x46: {  	[bflag:$0x3] =	sbarrier.arrive $0xFFFF  }
0x47: {  	_ =	shalt  }

</sc_bundles>
